<compile_context>
chip_gen: v7x
topology: tpu7x:2x2x1
jax: 0.10.2.dev20260603
libtpu: 0.0.44.dev20260713+nightly
codegen_flags: <defaults>
</compile_context>

<pallas_src>
import functools
import jax
import jax.numpy as jnp
import numpy as np
from jax.experimental import pallas as pl
from jax.experimental.pallas import tpu as pltpu

BM = 256
BF = 768
NEXP = 8
EPAD = 128


def _router_kernel(x_ref, gw_ref, gb_ref, e0_ref, e1_ref, w0_ref, w1_ref, us_ref):
    logits = jnp.dot(x_ref[...], gw_ref[...], preferred_element_type=jnp.float32)
    logits = logits + gb_ref[0][None, :]
    col = jax.lax.broadcasted_iota(jnp.int32, logits.shape, 1)
    big = jnp.int32(2 ** 30)
    m1 = jnp.max(logits, axis=1)
    a1 = jnp.min(jnp.where(logits == m1[:, None], col, big), axis=1)
    l2 = jnp.where(col == a1[:, None], -1e30, logits)
    m2 = jnp.max(l2, axis=1)
    a2 = jnp.min(jnp.where(l2 == m2[:, None], col, big), axis=1)
    r = jnp.exp(m2 - m1)
    z = 1.0 / (1.0 + r)
    e0_ref[...] = a1
    e1_ref[...] = a2
    w0_ref[...] = z
    w1_ref[...] = r * z
    p = jnp.exp(logits - m1[:, None])
    p = p / jnp.sum(p, axis=1, keepdims=True)
    us_ref[...] = jnp.sum(p, axis=0)


def _ffn_kernel(be_ref, xs_ref, w1_ref, b1_ref, w2_ref, b2_ref, sw_ref,
                out_ref, acc_ref, *, n_ff_blocks):
    k = pl.program_id(1)

    @pl.when(k == 0)
    def _():
        acc_ref[...] = jnp.zeros_like(acc_ref)

    h = jnp.dot(xs_ref[...], w1_ref[0], preferred_element_type=jnp.float32)
    h = h + b1_ref[0, 0][None, :]
    h = 0.5 * h * (1.0 + jax.lax.erf(h * np.float32(1.0 / np.sqrt(2.0))))
    acc_ref[...] += jnp.dot(h, w2_ref[0], preferred_element_type=jnp.float32)

    @pl.when(k == n_ff_blocks - 1)
    def _():
        out_ref[...] = (acc_ref[...] + b2_ref[0, 0][None, :]) * sw_ref[0, 0][:, None]


def _routing_metadata(e0, e1, w0, w1, S):
    e_flat = jnp.stack([e0, e1], axis=1).reshape(-1)
    w_flat = jnp.stack([w0, w1], axis=1).reshape(-1)
    tok = jnp.arange(2 * S, dtype=jnp.int32) // 2
    onehot = (e_flat[:, None] == jnp.arange(NEXP, dtype=jnp.int32)[None, :])
    onehot = onehot.astype(jnp.int32)
    counts = jnp.sum(onehot, axis=0)
    rank = jnp.cumsum(onehot, axis=0) - onehot
    rank = jnp.sum(rank * onehot, axis=1)
    padded = ((counts + BM - 1) // BM) * BM
    cum_padded = jnp.cumsum(padded)
    offs = cum_padded - padded
    posn = offs[e_flat] + rank
    P = 2 * S + NEXP * BM
    NB = P // BM
    src = jnp.zeros((P,), jnp.int32).at[posn].set(tok)
    sw = jnp.zeros((P,), jnp.float32).at[posn].set(w_flat)
    block_start = jnp.arange(NB, dtype=jnp.int32) * BM
    block_expert = jnp.minimum(
        jnp.searchsorted(cum_padded, block_start, side='right'), NEXP - 1
    ).astype(jnp.int32)
    return src, sw, posn, block_expert, P, NB


def kernel(x, gate_w, gate_b, W1, B1, W2, B2):
    B, S, D = x.shape
    DF = W1.shape[2]
    x2d = x.reshape(B * S, D)
    S = B * S

    gwp = jnp.zeros((D, EPAD), jnp.float32).at[:, :NEXP].set(gate_w)
    gbp = jnp.full((1, EPAD), -1e30, jnp.float32).at[0, :NEXP].set(gate_b)
    e0, e1, w0, w1, usage_sum = pl.pallas_call(
        _router_kernel,
        out_shape=(
            jax.ShapeDtypeStruct((S,), jnp.int32),
            jax.ShapeDtypeStruct((S,), jnp.int32),
            jax.ShapeDtypeStruct((S,), jnp.float32),
            jax.ShapeDtypeStruct((S,), jnp.float32),
            jax.ShapeDtypeStruct((EPAD,), jnp.float32),
        ),
    )(x2d, gwp, gbp)

    usage = usage_sum[:NEXP] / jnp.float32(S)
    loss = NEXP * jnp.sum(usage ** 2) - 1.0

    src, sw, posn, block_expert, P, NB = _routing_metadata(e0, e1, w0, w1, S)

    xs = jnp.take(x2d, src, axis=0)

    KF = DF // BF
    sw3 = sw.reshape(NB, 1, BM)
    B1r = B1.reshape(NEXP * KF, 1, BF)
    B2r = B2.reshape(NEXP, 1, D)
    grid_spec = pltpu.PrefetchScalarGridSpec(
        num_scalar_prefetch=1,
        grid=(NB, KF),
        in_specs=[
            pl.BlockSpec((BM, D), lambda b, k, be: (b, 0)),
            pl.BlockSpec((1, D, BF), lambda b, k, be: (be[b], 0, k)),
            pl.BlockSpec((1, 1, BF), lambda b, k, be, kf=KF: (be[b] * kf + k, 0, 0)),
            pl.BlockSpec((1, BF, D), lambda b, k, be: (be[b], k, 0)),
            pl.BlockSpec((1, 1, D), lambda b, k, be: (be[b], 0, 0)),
            pl.BlockSpec((1, 1, BM), lambda b, k, be: (b, 0, 0)),
        ],
        out_specs=pl.BlockSpec((BM, D), lambda b, k, be: (b, 0)),
        scratch_shapes=[pltpu.VMEM((BM, D), jnp.float32)],
    )
    ys = pl.pallas_call(
        functools.partial(_ffn_kernel, n_ff_blocks=KF),
        grid_spec=grid_spec,
        out_shape=jax.ShapeDtypeStruct((P, D), jnp.float32),
    )(block_expert, xs, W1, B1r, W2, B2r, sw3)

    pos0 = posn[0::2]
    pos1 = posn[1::2]
    out2d = jnp.take(ys, pos0, axis=0) + jnp.take(ys, pos1, axis=0)

    return out2d.reshape(B, x.shape[1], D), loss

# --- scband reference (transcript-rebuilt; emitter-appended) ---
"""Pipeline reference for scband-mo-elayer-17059610100270 (READ-ONLY COPY).

The authoritative reference and input builder live on the scoring server;
editing this copy changes nothing except your own understanding.
"""

import jax, jax.numpy as jnp
import numpy as np

D_MODEL = 768
D_FF = 3072
N_EXPERTS = 8
CAPACITY = 2
BATCH = 1
SEQ = 2048


def setup_inputs(seed: int = 0) -> dict:
    key = jax.random.key(seed)
    ks = jax.random.split(key, 7)
    x = jax.random.normal(ks[0], (BATCH, SEQ, D_MODEL), dtype=jnp.float32)
    s1 = 1.0 / np.sqrt(D_MODEL)
    s2 = 1.0 / np.sqrt(D_FF)
    gate_w = jax.random.uniform(ks[1], (D_MODEL, N_EXPERTS), jnp.float32, -s1, s1)
    gate_b = jax.random.uniform(ks[2], (N_EXPERTS,), jnp.float32, -s1, s1)
    W1 = jax.random.uniform(ks[3], (N_EXPERTS, D_MODEL, D_FF), jnp.float32, -s1, s1)
    B1 = jax.random.uniform(ks[4], (N_EXPERTS, D_FF), jnp.float32, -s1, s1)
    W2 = jax.random.uniform(ks[5], (N_EXPERTS, D_FF, D_MODEL), jnp.float32, -s2, s2)
    B2 = jax.random.uniform(ks[6], (N_EXPERTS, D_MODEL), jnp.float32, -s2, s2)
    return {"x": x, "gate_w": gate_w, "gate_b": gate_b, "W1": W1, "B1": B1, "W2": W2, "B2": B2}


def reference(x, gate_w, gate_b, W1, B1, W2, B2):
    # Router
    router_logits = jnp.einsum('bsd,de->bse', x, gate_w) + gate_b
    top_w, top_idx = jax.lax.top_k(router_logits, CAPACITY)
    top_w = jax.nn.softmax(top_w, axis=-1)
    router_probs = jax.nn.softmax(router_logits, axis=-1)
    expert_usage = router_probs.mean(axis=(0, 1))
    load_balancing_loss = N_EXPERTS * jnp.sum(expert_usage ** 2) - 1.0
    # Dense expert compute (the torch impl runs every expert on all tokens)
    h = jnp.einsum('bsd,edf->besf', x, W1) + B1[None, :, None, :]
    h = jax.nn.gelu(h, approximate=False)
    expert_out = jnp.einsum('besf,efd->besd', h, W2) + B2[None, :, None, :]
    output = jnp.zeros_like(x)
    for i in range(CAPACITY):
        idx = top_idx[:, :, i]
        w = top_w[:, :, i][..., None]
        onehot = (idx[..., None] == jnp.arange(N_EXPERTS)).astype(x.dtype)
        output = output + w * jnp.einsum('bse,besd->bsd', onehot, expert_out)
    return output, load_balancing_loss

if __name__ == "__main__":
    import jax
    _d = setup_inputs()
    print(jax.jit(kernel)(*tuple(_d.values())))

</pallas_src>

<mosaic_0001>
module attributes {stable_mosaic.version = 14 : i64} {
  func.func @_router_kernel(%arg0: memref<2048x768xf32, #tpu.memory_space<vmem>>, %arg1: memref<768x128xf32, #tpu.memory_space<vmem>>, %arg2: memref<1x128xf32, #tpu.memory_space<vmem>>, %arg3: memref<2048xi32, #tpu.memory_space<vmem>>, %arg4: memref<2048xi32, #tpu.memory_space<vmem>>, %arg5: memref<2048xf32, #tpu.memory_space<vmem>>, %arg6: memref<2048xf32, #tpu.memory_space<vmem>>, %arg7: memref<128xf32, #tpu.memory_space<vmem>>) attributes {dimension_semantics = [], scalar_prefetch = 0 : i64, scratch_operands = 0 : i64, tpu.core_type = #tpu.core_type<tc>} {
    %get3A = arith.constant 0 : index
    %get3A_0 = arith.constant 0 : index
    %get3A_1 = vector.load %arg0[%get3A, %get3A_0] : memref<2048x768xf32, #tpu.memory_space<vmem>>, vector<2048x768xf32>
    %get3A_2 = arith.constant 0 : index
    %get3A_3 = arith.constant 0 : index
    %get3A_4 = vector.load %arg1[%get3A_2, %get3A_3] : memref<768x128xf32, #tpu.memory_space<vmem>>, vector<768x128xf32>
    %dot_general3A = arith.constant dense<0.000000e+00> : vector<2048x128xf32>
    %dot_general3A_5 = tpu.matmul %get3A_1, %get3A_4, %dot_general3A {dimension_numbers = #tpu.dot_dimension_numbers<[1], [0], [0], [1], [0, 0, 1, 1], [], []>, transpose_lhs_hint = false} : vector<2048x768xf32>, vector<768x128xf32>, vector<2048x128xf32> -> vector<2048x128xf32>
    %get3A_6 = arith.constant 0 : index
    %get3A_7 = arith.constant 0 : index
    %get3A_8 = vector.load %arg2[%get3A_6, %get3A_7] : memref<1x128xf32, #tpu.memory_space<vmem>>, vector<1x128xf32>
    %get3A_9 = vector.shape_cast %get3A_8 : vector<1x128xf32> to vector<128xf32>
    %broadcast_in_dim3A = vector.shape_cast %get3A_9 : vector<128xf32> to vector<1x128xf32>
    %add3A = vector.broadcast %broadcast_in_dim3A : vector<1x128xf32> to vector<2048x128xf32>
    %add3A_10 = arith.addf %dot_general3A_5, %add3A : vector<2048x128xf32>
    %iota3A = tpu.iota {dimensions = array<i32: 1>} : vector<2048x128xi32>
    %reduce_max3A = arith.constant dense<0xFF800000> : vector<2048xf32>
    %reduce_max3A_11 = vector.multi_reduction <maximumf>, %add3A_10, %reduce_max3A [1] : vector<2048x128xf32> to vector<2048xf32>
    %broadcast_in_dim3A_12 = vector.shape_cast %reduce_max3A_11 : vector<2048xf32> to vector<2048x1xf32>
    %eq3A = vector.broadcast %broadcast_in_dim3A_12 : vector<2048x1xf32> to vector<2048x128xf32>
    %eq3A_13 = arith.cmpf oeq, %add3A_10, %eq3A : vector<2048x128xf32>
    %jit3A = arith.constant 1073741824 : i32
    %broadcast_in_dim3A_14 = vector.broadcast %jit3A : i32 to vector<2048x128xi32>
    %select_n3A = arith.select %eq3A_13, %iota3A, %broadcast_in_dim3A_14 : vector<2048x128xi1>, vector<2048x128xi32>
    %reduce_min3A = arith.constant dense<2147483647> : vector<2048xi32>
    %reduce_min3A_15 = vector.multi_reduction <minsi>, %select_n3A, %reduce_min3A [1] : vector<2048x128xi32> to vector<2048xi32>
    %broadcast_in_dim3A_16 = vector.shape_cast %reduce_min3A_15 : vector<2048xi32> to vector<2048x1xi32>
    %eq3A_17 = vector.broadcast %broadcast_in_dim3A_16 : vector<2048x1xi32> to vector<2048x128xi32>
    %eq3A_18 = arith.cmpi eq, %iota3A, %eq3A_17 : vector<2048x128xi32>
    %jit3A_19 = arith.constant -1.000000e+30 : f32
    %broadcast_in_dim3A_20 = vector.broadcast %jit3A_19 : f32 to vector<2048x128xf32>
    %select_n3A_21 = arith.select %eq3A_18, %broadcast_in_dim3A_20, %add3A_10 : vector<2048x128xi1>, vector<2048x128xf32>
    %reduce_max3A_22 = arith.constant dense<0xFF800000> : vector<2048xf32>
    %reduce_max3A_23 = vector.multi_reduction <maximumf>, %select_n3A_21, %reduce_max3A_22 [1] : vector<2048x128xf32> to vector<2048xf32>
    %broadcast_in_dim3A_24 = vector.shape_cast %reduce_max3A_23 : vector<2048xf32> to vector<2048x1xf32>
    %eq3A_25 = vector.broadcast %broadcast_in_dim3A_24 : vector<2048x1xf32> to vector<2048x128xf32>
    %eq3A_26 = arith.cmpf oeq, %select_n3A_21, %eq3A_25 : vector<2048x128xf32>
    %jit3A_27 = arith.constant 1073741824 : i32
    %broadcast_in_dim3A_28 = vector.broadcast %jit3A_27 : i32 to vector<2048x128xi32>
    %select_n3A_29 = arith.select %eq3A_26, %iota3A, %broadcast_in_dim3A_28 : vector<2048x128xi1>, vector<2048x128xi32>
    %reduce_min3A_30 = arith.constant dense<2147483647> : vector<2048xi32>
    %reduce_min3A_31 = vector.multi_reduction <minsi>, %select_n3A_29, %reduce_min3A_30 [1] : vector<2048x128xi32> to vector<2048xi32>
    %sub3A = arith.subf %reduce_max3A_23, %reduce_max3A_11 : vector<2048xf32>
    %exp3A = math.exp %sub3A : vector<2048xf32>
    %add3A_32 = arith.constant 1.000000e+00 : f32
    %add3A_33 = vector.broadcast %add3A_32 : f32 to vector<2048xf32>
    %add3A_34 = arith.addf %add3A_33, %exp3A : vector<2048xf32>
    %div3A = arith.constant 1.000000e+00 : f32
    %div3A_35 = vector.broadcast %div3A : f32 to vector<2048xf32>
    %div3A_36 = arith.divf %div3A_35, %add3A_34 : vector<2048xf32>
    %swap3A = arith.constant 0 : index
    %swap3A_37 = vector.load %arg3[%swap3A] : memref<2048xi32, #tpu.memory_space<vmem>>, vector<2048xi32>
    tpu.vector_store %arg3[%swap3A], %reduce_min3A_15 {strides = array<i32>} : memref<2048xi32, #tpu.memory_space<vmem>>, vector<2048xi32>,
    %swap3A_38 = arith.constant 0 : index
    %swap3A_39 = vector.load %arg4[%swap3A_38] : memref<2048xi32, #tpu.memory_space<vmem>>, vector<2048xi32>
    tpu.vector_store %arg4[%swap3A_38], %reduce_min3A_31 {strides = array<i32>} : memref<2048xi32, #tpu.memory_space<vmem>>, vector<2048xi32>,
    %swap3A_40 = arith.constant 0 : index
    %swap3A_41 = vector.load %arg5[%swap3A_40] : memref<2048xf32, #tpu.memory_space<vmem>>, vector<2048xf32>
    tpu.vector_store %arg5[%swap3A_40], %div3A_36 {strides = array<i32>} : memref<2048xf32, #tpu.memory_space<vmem>>, vector<2048xf32>,
    %mul3A = arith.mulf %exp3A, %div3A_36 : vector<2048xf32>
    %swap3A_42 = arith.constant 0 : index
    %swap3A_43 = vector.load %arg6[%swap3A_42] : memref<2048xf32, #tpu.memory_space<vmem>>, vector<2048xf32>
    tpu.vector_store %arg6[%swap3A_42], %mul3A {strides = array<i32>} : memref<2048xf32, #tpu.memory_space<vmem>>, vector<2048xf32>,
    %broadcast_in_dim3A_44 = vector.shape_cast %reduce_max3A_11 : vector<2048xf32> to vector<2048x1xf32>
    %sub3A_45 = vector.broadcast %broadcast_in_dim3A_44 : vector<2048x1xf32> to vector<2048x128xf32>
    %sub3A_46 = arith.subf %add3A_10, %sub3A_45 : vector<2048x128xf32>
    %exp3A_47 = math.exp %sub3A_46 : vector<2048x128xf32>
    %reduce_sum3A = arith.constant dense<0.000000e+00> : vector<2048xf32>
    %reduce_sum3A_48 = vector.multi_reduction <add>, %exp3A_47, %reduce_sum3A [1] : vector<2048x128xf32> to vector<2048xf32>
    %broadcast_in_dim3A_49 = vector.shape_cast %reduce_sum3A_48 : vector<2048xf32> to vector<2048x1xf32>
    %div3A_50 = vector.broadcast %broadcast_in_dim3A_49 : vector<2048x1xf32> to vector<2048x128xf32>
    %div3A_51 = arith.divf %exp3A_47, %div3A_50 : vector<2048x128xf32>
    %reduce_sum3A_52 = arith.constant dense<0.000000e+00> : vector<128xf32>
    %reduce_sum3A_53 = vector.multi_reduction <add>, %div3A_51, %reduce_sum3A_52 [0] : vector<2048x128xf32> to vector<128xf32>
    %swap3A_54 = arith.constant 0 : index
    %swap3A_55 = vector.load %arg7[%swap3A_54] : memref<128xf32, #tpu.memory_space<vmem>>, vector<128xf32>
    tpu.vector_store %arg7[%swap3A_54], %reduce_sum3A_53 {strides = array<i32>} : memref<128xf32, #tpu.memory_space<vmem>>, vector<128xf32>,
    return
  }
}

module attributes {stable_mosaic.version = 14 : i64} {
  func.func @_ffn_kernel(%arg0: i32, %arg1: i32, %arg2: memref<24xi32, #tpu.memory_space<smem>>, %arg3: memref<256x768xf32, #tpu.memory_space<vmem>>, %arg4: memref<1x768x768xf32, #tpu.memory_space<vmem>>, %arg5: memref<1x1x768xf32, #tpu.memory_space<vmem>>, %arg6: memref<1x768x768xf32, #tpu.memory_space<vmem>>, %arg7: memref<1x1x768xf32, #tpu.memory_space<vmem>>, %arg8: memref<1x1x256xf32, #tpu.memory_space<vmem>>, %arg9: memref<256x768xf32, #tpu.memory_space<vmem>>, %arg10: memref<256x768xf32, #tpu.memory_space<vmem>>) attributes {dimension_semantics = [#tpu.dimension_semantics<arbitrary>, #tpu.dimension_semantics<arbitrary>], iteration_bounds = array<i64: 24, 4>, scalar_prefetch = 1 : i64, scratch_operands = 1 : i64, tpu.core_type = #tpu.core_type<tc>, window_params = [{transform_indices = @transform_0, window_bounds = array<i64: 256, 768>}, {transform_indices = @transform_1, window_bounds = array<i64: 1, 768, 768>}, {transform_indices = @transform_2, window_bounds = array<i64: 1, 1, 768>}, {transform_indices = @transform_3, window_bounds = array<i64: 1, 768, 768>}, {transform_indices = @transform_4, window_bounds = array<i64: 1, 1, 768>}, {transform_indices = @transform_5, window_bounds = array<i64: 1, 1, 256>}, {transform_indices = @transform_6, window_bounds = array<i64: 256, 768>}]} {
    %eq3A = arith.constant 0 : i32
    %eq3A_0 = arith.cmpi eq, %arg1, %eq3A : i32
    %convert_element_type3A = arith.extui %eq3A_0 : i1 to i32
    %cond3A = arith.constant 0 : i32
    %cond3A_1 = arith.cmpi ne, %convert_element_type3A, %cond3A : i32
    scf.if %cond3A_1 {
      %broadcast_in_dim3A_43 = arith.constant 0.000000e+00 : f32
      %broadcast_in_dim3A_44 = vector.broadcast %broadcast_in_dim3A_43 : f32 to vector<256x768xf32>
      %swap3A_45 = arith.constant 0 : index
      %swap3A_46 = arith.constant 0 : index
      %swap3A_47 = vector.load %arg10[%swap3A_45, %swap3A_46] : memref<256x768xf32, #tpu.memory_space<vmem>>, vector<256x768xf32>
      tpu.vector_store %arg10[%swap3A_45, %swap3A_46], %broadcast_in_dim3A_44 {strides = array<i32>} : memref<256x768xf32, #tpu.memory_space<vmem>>, vector<256x768xf32>,
    } else {
    }
    %get3A = arith.constant 0 : index
    %get3A_2 = arith.constant 0 : index
    %get3A_3 = vector.load %arg3[%get3A, %get3A_2] : memref<256x768xf32, #tpu.memory_space<vmem>>, vector<256x768xf32>
    %get3A_4 = arith.constant 0 : index
    %get3A_5 = arith.constant 0 : index
    %get3A_6 = arith.constant 0 : index
    %get3A_7 = vector.load %arg4[%get3A_4, %get3A_5, %get3A_6] : memref<1x768x768xf32, #tpu.memory_space<vmem>>, vector<1x768x768xf32>
    %get3A_8 = vector.shape_cast %get3A_7 : vector<1x768x768xf32> to vector<768x768xf32>
    %dot_general3A = arith.constant dense<0.000000e+00> : vector<256x768xf32>
    %dot_general3A_9 = tpu.matmul %get3A_3, %get3A_8, %dot_general3A {dimension_numbers = #tpu.dot_dimension_numbers<[1], [0], [0], [1], [0, 0, 1, 1], [], []>, transpose_lhs_hint = false} : vector<256x768xf32>, vector<768x768xf32>, vector<256x768xf32> -> vector<256x768xf32>
    %get3A_10 = arith.constant 0 : index
    %get3A_11 = arith.constant 0 : index
    %get3A_12 = arith.constant 0 : index
    %get3A_13 = vector.load %arg5[%get3A_10, %get3A_11, %get3A_12] : memref<1x1x768xf32, #tpu.memory_space<vmem>>, vector<1x1x768xf32>
    %get3A_14 = vector.shape_cast %get3A_13 : vector<1x1x768xf32> to vector<768xf32>
    %broadcast_in_dim3A = vector.shape_cast %get3A_14 : vector<768xf32> to vector<1x768xf32>
    %add3A = vector.broadcast %broadcast_in_dim3A : vector<1x768xf32> to vector<256x768xf32>
    %add3A_15 = arith.addf %dot_general3A_9, %add3A : vector<256x768xf32>
    %mul3A = arith.constant 5.000000e-01 : f32
    %mul3A_16 = vector.broadcast %mul3A : f32 to vector<256x768xf32>
    %mul3A_17 = arith.mulf %mul3A_16, %add3A_15 : vector<256x768xf32>
    %mul3A_18 = arith.constant 0.707106769 : f32
    %mul3A_19 = vector.broadcast %mul3A_18 : f32 to vector<256x768xf32>
    %mul3A_20 = arith.mulf %add3A_15, %mul3A_19 : vector<256x768xf32>
    %erf3A = math.erf %mul3A_20 : vector<256x768xf32>
    %add3A_21 = arith.constant 1.000000e+00 : f32
    %add3A_22 = vector.broadcast %add3A_21 : f32 to vector<256x768xf32>
    %add3A_23 = arith.addf %add3A_22, %erf3A : vector<256x768xf32>
    %mul3A_24 = arith.mulf %mul3A_17, %add3A_23 : vector<256x768xf32>
    %get3A_25 = arith.constant 0 : index
    %get3A_26 = arith.constant 0 : index
    %get3A_27 = vector.load %arg10[%get3A_25, %get3A_26] : memref<256x768xf32, #tpu.memory_space<vmem>>, vector<256x768xf32>
    %get3A_28 = arith.constant 0 : index
    %get3A_29 = arith.constant 0 : index
    %get3A_30 = arith.constant 0 : index
    %get3A_31 = vector.load %arg6[%get3A_28, %get3A_29, %get3A_30] : memref<1x768x768xf32, #tpu.memory_space<vmem>>, vector<1x768x768xf32>
    %get3A_32 = vector.shape_cast %get3A_31 : vector<1x768x768xf32> to vector<768x768xf32>
    %dot_general3A_33 = arith.constant dense<0.000000e+00> : vector<256x768xf32>
    %dot_general3A_34 = tpu.matmul %mul3A_24, %get3A_32, %dot_general3A_33 {dimension_numbers = #tpu.dot_dimension_numbers<[1], [0], [0], [1], [0, 0, 1, 1], [], []>, transpose_lhs_hint = false} : vector<256x768xf32>, vector<768x768xf32>, vector<256x768xf32> -> vector<256x768xf32>
    %add3A_35 = arith.addf %get3A_27, %dot_general3A_34 : vector<256x768xf32>
    %swap3A = arith.constant 0 : index
    %swap3A_36 = arith.constant 0 : index
    %swap3A_37 = vector.load %arg10[%swap3A, %swap3A_36] : memref<256x768xf32, #tpu.memory_space<vmem>>, vector<256x768xf32>
    tpu.vector_store %arg10[%swap3A, %swap3A_36], %add3A_35 {strides = array<i32>} : memref<256x768xf32, #tpu.memory_space<vmem>>, vector<256x768xf32>,
    %eq3A_38 = arith.constant 3 : i32
    %eq3A_39 = arith.cmpi eq, %arg1, %eq3A_38 : i32
    %convert_element_type3A_40 = arith.extui %eq3A_39 : i1 to i32
    %cond3A_41 = arith.constant 0 : i32
    %cond3A_42 = arith.cmpi ne, %convert_element_type3A_40, %cond3A_41 : i32
    scf.if %cond3A_42 {
      %get3A_43 = arith.constant 0 : index
      %get3A_44 = arith.constant 0 : index
      %get3A_45 = vector.load %arg10[%get3A_43, %get3A_44] : memref<256x768xf32, #tpu.memory_space<vmem>>, vector<256x768xf32>
      %get3A_46 = arith.constant 0 : index
      %get3A_47 = arith.constant 0 : index
      %get3A_48 = arith.constant 0 : index
      %get3A_49 = vector.load %arg7[%get3A_46, %get3A_47, %get3A_48] : memref<1x1x768xf32, #tpu.memory_space<vmem>>, vector<1x1x768xf32>
      %get3A_50 = vector.shape_cast %get3A_49 : vector<1x1x768xf32> to vector<768xf32>
      %broadcast_in_dim3A_51 = vector.shape_cast %get3A_50 : vector<768xf32> to vector<1x768xf32>
      %add3A_52 = vector.broadcast %broadcast_in_dim3A_51 : vector<1x768xf32> to vector<256x768xf32>
      %add3A_53 = arith.addf %get3A_45, %add3A_52 : vector<256x768xf32>
      %get3A_54 = arith.constant 0 : index
      %get3A_55 = arith.constant 0 : index
      %get3A_56 = arith.constant 0 : index
      %get3A_57 = vector.load %arg8[%get3A_54, %get3A_55, %get3A_56] : memref<1x1x256xf32, #tpu.memory_space<vmem>>, vector<1x1x256xf32>
      %get3A_58 = vector.shape_cast %get3A_57 : vector<1x1x256xf32> to vector<256xf32>
      %broadcast_in_dim3A_59 = vector.shape_cast %get3A_58 : vector<256xf32> to vector<256x1xf32>
      %mul3A_60 = vector.broadcast %broadcast_in_dim3A_59 : vector<256x1xf32> to vector<256x768xf32>
      %mul3A_61 = arith.mulf %add3A_53, %mul3A_60 : vector<256x768xf32>
      %swap3A_62 = arith.constant 0 : index
      %swap3A_63 = arith.constant 0 : index
      %swap3A_64 = vector.load %arg9[%swap3A_62, %swap3A_63] : memref<256x768xf32, #tpu.memory_space<vmem>>, vector<256x768xf32>
      tpu.vector_store %arg9[%swap3A_62, %swap3A_63], %mul3A_61 {strides = array<i32>} : memref<256x768xf32, #tpu.memory_space<vmem>>, vector<256x768xf32>,
    } else {
    }
    return
  }
  func.func @transform_0(%arg0: i32, %arg1: i32, %arg2: memref<24xi32, #tpu.memory_space<smem>>) -> (i32, i32) {
    %c0_i32 = arith.constant 0 : i32
    %c0_i32_0 = arith.constant 0 : i32
    return %arg0, %c0_i32 : i32, i32
  }
  func.func @transform_1(%arg0: i32, %arg1: i32, %arg2: memref<24xi32, #tpu.memory_space<smem>>) -> (i32, i32, i32) {
    %get3A = arith.index_cast %arg0 : i32 to index
    %get3A_0 = memref.load %arg2[%get3A] : memref<24xi32, #tpu.memory_space<smem>>
    %c0_i32 = arith.constant 0 : i32
    %c0_i32_1 = arith.constant 0 : i32
    return %get3A_0, %c0_i32, %arg1 : i32, i32, i32
  }
  func.func @transform_2(%arg0: i32, %arg1: i32, %arg2: memref<24xi32, #tpu.memory_space<smem>>) -> (i32, i32, i32) {
    %get3A = arith.index_cast %arg0 : i32 to index
    %get3A_0 = memref.load %arg2[%get3A] : memref<24xi32, #tpu.memory_space<smem>>
    %mul3A = arith.constant 4 : i32
    %mul3A_1 = arith.muli %get3A_0, %mul3A : i32
    %add3A = arith.addi %mul3A_1, %arg1 : i32
    %c0_i32 = arith.constant 0 : i32
    %c0_i32_2 = arith.constant 0 : i32
    %c0_i32_3 = arith.constant 0 : i32
    return %add3A, %c0_i32, %c0_i32_2 : i32, i32, i32
  }
  func.func @transform_3(%arg0: i32, %arg1: i32, %arg2: memref<24xi32, #tpu.memory_space<smem>>) -> (i32, i32, i32) {
    %get3A = arith.index_cast %arg0 : i32 to index
    %get3A_0 = memref.load %arg2[%get3A] : memref<24xi32, #tpu.memory_space<smem>>
    %c0_i32 = arith.constant 0 : i32
    %c0_i32_1 = arith.constant 0 : i32
    return %get3A_0, %arg1, %c0_i32 : i32, i32, i32
  }
  func.func @transform_4(%arg0: i32, %arg1: i32, %arg2: memref<24xi32, #tpu.memory_space<smem>>) -> (i32, i32, i32) {
    %get3A = arith.index_cast %arg0 : i32 to index
    %get3A_0 = memref.load %arg2[%get3A] : memref<24xi32, #tpu.memory_space<smem>>
    %c0_i32 = arith.constant 0 : i32
    %c0_i32_1 = arith.constant 0 : i32
    %c0_i32_2 = arith.constant 0 : i32
    return %get3A_0, %c0_i32, %c0_i32_1 : i32, i32, i32
  }
  func.func @transform_5(%arg0: i32, %arg1: i32, %arg2: memref<24xi32, #tpu.memory_space<smem>>) -> (i32, i32, i32) {
    %c0_i32 = arith.constant 0 : i32
    %c0_i32_0 = arith.constant 0 : i32
    %c0_i32_1 = arith.constant 0 : i32
    return %arg0, %c0_i32, %c0_i32_0 : i32, i32, i32
  }
  func.func @transform_6(%arg0: i32, %arg1: i32, %arg2: memref<24xi32, #tpu.memory_space<smem>>) -> (i32, i32) {
    %c0_i32 = arith.constant 0 : i32
    %c0_i32_0 = arith.constant 0 : i32
    return %arg0, %c0_i32 : i32, i32
  }
}

</mosaic_0001>

<sc_bundles>
// kernel: gather_offload_async_start.1
scs
__scs_entry_jumppad:
0x0: {  	(pc) =	sbr.rel $0x88, $3  }
0x1: {  	(tag) =	ssettag $0x0;
	lr =	simm.s32 $0x1  }
0x2: {  	[smem:$0x3F9A] =	sst lr;
	_ =	strace $0xD0000000  }
0x3: {  	_ = 	snop  }
0x4: {  	_ = 	snop  }
0x5: {  	_ = 	snop  }
0x6: {  	_ = 	snop  }
0x7: {  	_ = 	snop  }
__scs_overlays_trampoline_lowered:
0x8: {  	[smem:$0x3FA9] =	sst s0  }
0x9: {  	[smem:$0x3FAA] =	sst s1  }
0xa: {  	[smem:$0x3FAB] =	sst s2  }
0xb: {  	[smem:$0x3FAC] =	sst s3  }
0xc: {  	[smem:$0x3FAD] =	sst s4  }
0xd: {  	[smem:$0x3FAE] =	sst s5  }
0xe: {  	[smem:$0x3FAF] =	sst s6  }
0xf: {  	[smem:$0x3FB0] =	sst s7  }
0x10: {  	[smem:$0x3FB1] =	sst s8  }
0x11: {  	[smem:$0x3FB2] =	sst s9;
	s0 =	simm.s32 @!p0 $0x0  }
0x12: {  	s1 =	sld [smem:$0x3F98];
	s0 =	simm.s32 @p0 $0x1  }
0x13: {  	[smem:$0x3FB3] =	sst s0;
	s0 =	simm.s32 @!p1 $0x0  }
0x14: {  	s2 =	sld [smem:$0x3F97];
	s0 =	simm.s32 @p1 $0x1  }
0x15: {  	[smem:$0x3FB4] =	sst s0;
	s0 =	simm.s32 @!p2 $0x0  }
0x16: {  	s3 =	sld [smem:$0x3FDB];
	s0 =	simm.s32 @p2 $0x1  }
0x17: {  	s4 =	simm.s32 $0x1BF5;
	[smem:$0x3FB6] =	sst s0  }
0x18: {  	s0 =	sld [smem:$0x3F99];
	_ =	swait.ge [sflag:s4], $0x0  }
0x19: {  	s7 =	sld [smem:$0x3F9A]  }
0x1a: {  	s8 =	sadd.s32 $0xFFFFE003, lr  }
0x1b: {  	s9 =	sadd.s32 $0xFFFFFEF7, lr;
	s5 =	simm.s32 $0xFFFFFFFF;
	p2 =	slt.u32 s8, $0xFFFFF086  }
0x1c: {  	p1 =	slt.u32 s9, $0xF7A;
	s5 =	simm.s32 @!p2 $0x0  }
0x1d: {  	s5 =	simm.s32 @p1 $0x1;
	p0 =	seq.s32 s7, s2  }
0x1e: {  	s7 =	smul.u32 @!p0 $0xF7A, s2;
	p2 =	seq.s32 @!p0 s5, $0x0  }
0x1f: {  	s9 =	smul.u32 $0xF7A, s1;
	s8 =	simm.s32 @!p0 $0x1BF5;
	p2 =	por !p2, p0  }
0x20: {  	[sflag:s8] =	ssyncset.s32 @!p0 $0xFFFFF086;
	s6 =	sadd.s32 @!p0 s3, s7;
	s7 =	simm.s32 @!p0 $0x108  }
0x21: {  	s3 =	sadd.s32 s3, s9;
	s6 =	sadd.s32 @!p0 $0x88, s6;
	s7 =	simm.s32 @p2 $0x1082  }
0x22: {  	[simem:s7], [sflag:s8] =	dma.local @!p0 [hbm:s6], $0xF7A  }
0x23: {  	s9 =	sor.u32 $0xD0000000, s2;
	s6 =	simm.s32 $0x108;
	_ =	swait.ge @!p0 [sflag:s8], $0x0  }
0x24: {  	s3 =	sadd.s32 $0x88, s3;
	s6 =	simm.s32 @!p1 $0x1082;
	[sflag:s4] =	ssyncset.s32 $0xFFFFF086  }
0x25: {  	[simem:s6], [sflag:s4] =	dma.local [hbm:s3], $0xF7A  }
0x26: {  	[smem:$0x3F9A] =	sst s1;
	(tag) =	ssettag s2;
	_ =	strace s9  }
0x27: {  	s1 =	sld [smem:$0x3FAA]  }
0x28: {  	s2 =	sld [smem:$0x3FAB]  }
0x29: {  	s4 =	sld [smem:$0x3FAD]  }
0x2a: {  	p0 =	seq.s32 s5, $0x0;
	s5 =	sld [smem:$0x3FAE]  }
0x2b: {  	s6 =	sld [smem:$0x3FAF]  }
0x2c: {  	s7 =	sld [smem:$0x3FB0]  }
0x2d: {  	s3 =	simm.s32 $0x108;
	s8 =	sld [smem:$0x3FB1]  }
0x2e: {  	s3 =	simm.s32 @!p0 $0x1082;
	s9 =	sld [smem:$0x3FB2]  }
0x2f: {  	lr =	sadd.s32 s0, s3;
	s0 =	sld [smem:$0x3FA9]  }
0x30: {  	s3 =	sld [smem:$0x3FAC]  }
0x31: {  	[smem:$0x3FB5] =	sst s10  }
0x32: {  	s10 =	sld [smem:$0x3FB3];
	_ =	sdelay $0x3  }
0x33: {  	p0 =	seq.s32 s10, $0x1;
	s10 =	sld [smem:$0x3FB5];
	_ =	sdelay $0x3  }
0x34: {  	[smem:$0x3FB5] =	sst s10  }
0x35: {  	s10 =	sld [smem:$0x3FB4];
	_ =	sdelay $0x3  }
0x36: {  	p1 =	seq.s32 s10, $0x1;
	s10 =	sld [smem:$0x3FB5];
	_ =	sdelay $0x3  }
0x37: {  	[smem:$0x3FB5] =	sst s10  }
0x38: {  	s10 =	sld [smem:$0x3FB6]  }
0x39: {  	_ = 	snop;
	(pc) =	sbr.ind lr, $3  }
0x3a: {  	_ = 	snop  }
0x3b: {  	_ = 	snop  }
0x3c: {  	p2 =	seq.s32 s10, $0x1;
	s10 =	sld [smem:$0x3FB5]  }
0x3d: {  	_ =	shalt  }
0x3e: {  	_ =	shalt  }
0x3f: {  	_ =	shalt  }
0x40: {  	_ =	shalt  }
0x41: {  	_ =	shalt  }
0x42: {  	_ =	shalt  }
0x43: {  	_ =	shalt  }
0x44: {  	_ =	shalt  }
0x45: {  	_ =	shalt  }
0x46: {  	_ =	shalt  }
0x47: {  	_ =	shalt  }
0x48: {  	_ =	shalt  }
0x49: {  	_ =	shalt  }
0x4a: {  	_ =	shalt  }
0x4b: {  	_ =	shalt  }
0x4c: {  	_ =	shalt  }
0x4d: {  	_ =	shalt  }
0x4e: {  	_ =	shalt  }
0x4f: {  	_ =	shalt  }
0x50: {  	_ =	shalt  }
0x51: {  	_ =	shalt  }
0x52: {  	_ =	shalt  }
0x53: {  	_ =	shalt  }
0x54: {  	_ =	shalt  }
0x55: {  	_ =	shalt  }
0x56: {  	_ =	shalt  }
0x57: {  	_ =	shalt  }
0x58: {  	_ =	shalt  }
0x59: {  	_ =	shalt  }
0x5a: {  	_ =	shalt  }
0x5b: {  	_ =	shalt  }
0x5c: {  	_ =	shalt  }
0x5d: {  	_ =	shalt  }
0x5e: {  	_ =	shalt  }
0x5f: {  	_ =	shalt  }
0x60: {  	_ =	shalt  }
0x61: {  	_ =	shalt  }
0x62: {  	_ =	shalt  }
0x63: {  	_ =	shalt  }
0x64: {  	_ =	shalt  }
0x65: {  	_ =	shalt  }
0x66: {  	_ =	shalt  }
0x67: {  	_ =	shalt  }
0x68: {  	_ =	shalt  }
0x69: {  	_ =	shalt  }
0x6a: {  	_ =	shalt  }
0x6b: {  	_ =	shalt  }
0x6c: {  	_ =	shalt  }
0x6d: {  	_ =	shalt  }
0x6e: {  	_ =	shalt  }
0x6f: {  	_ =	shalt  }
0x70: {  	_ =	shalt  }
0x71: {  	_ =	shalt  }
0x72: {  	_ =	shalt  }
0x73: {  	_ =	shalt  }
0x74: {  	_ =	shalt  }
0x75: {  	_ =	shalt  }
0x76: {  	_ =	shalt  }
0x77: {  	_ =	shalt  }
0x78: {  	_ =	shalt  }
0x79: {  	_ =	shalt  }
0x7a: {  	_ =	shalt  }
0x7b: {  	_ =	shalt  }
0x7c: {  	_ =	shalt  }
0x7d: {  	_ =	shalt  }
0x7e: {  	_ =	shalt  }
0x7f: {  	_ =	shalt  }
0x80: {  	_ =	shalt  }
0x81: {  	_ =	shalt  }
0x82: {  	_ =	shalt  }
0x83: {  	_ =	shalt  }
0x84: {  	_ =	shalt  }
0x85: {  	_ =	shalt  }
0x86: {  	_ =	shalt  }
0x87: {  	_ =	shalt  }
.Lfunc_end0:
.L_simem_size_0:
called_computation.1_lowered:
.L_overlay_start_0:
0x88: {  	s2 =	sld [smem:$0x3FD9]  }
0x89: {  	s3 =	sld [smem:$0x3FFE];
	_ =	sdelay $0x1  }
0x8a: {  	s1 =	srdreg.scid  }
0x8b: {  	s0 =	sand.u32 $0x1, s1  }
0x8c: {  	s15 =	sshll.u32 s0, $0xA;
	s2 =	sadd.s32 s3, s2  }
0x8d: {  	s2 =	sadd.s32 s2, s15  }
0x8e: {  	[smem:$0x3FC1] =	sst s2  }
0x8f: {  	_ = 	snop  }
0x90: {  	s2 =	sld [smem:$0x3FD0];
	_ =	sdelay $0x2  }
0x91: {  	s16 =	simm.s32 $0xB;
	s4 =	simm.s32 $0x10  }
0x92: {  	[smem:s4], [sflag:s16] =	dma.local [hbm:s2], $0x1  }
0x93: {  	_ =	swait.eq [sflag:s16], $0x1  }
0x94: {  	[sflag:s16] =	ssyncset.done $0x0  }
0x95: {  	[sflag:s16] =	ssyncadd.s32 $0xFFFFFFFF  }
0x96: {  	s17 =	sld [smem:$0x10];
	(tm) =	ssettm $0x1  }
0x97: {  	s18 =	sld [smem:$0x3FFB];
	_ =	sdelay $0x3  }
0x98: {  	_ =	strace s18  }
0x99: {  	s2 =	sld [smem:$0x3FFC];
	_ =	sdelay $0x3  }
0x9a: {  	_ =	strace s2  }
0x9b: {  	s2 =	sld [smem:$0x3FFD];
	_ =	sdelay $0x3  }
0x9c: {  	_ =	strace s2  }
0x9d: {  	_ =	strace $0x8FFFFFFF  }
0x9e: {  	s19 =	sld [smem:$0x3FDB];
	_ =	sdelay $0x1  }
0x9f: {  	s20 =	simm.s32 $_scs_section_size  }
0xa0: {  	s5 =	simm.s32 $_size__tile_overlayer_lowered;
	s6 =	simm.s32 $_tile_overlayer_lowered  }
0xa1: {  	s7 =	simm.s32 $0x1BFF;
	s21 =	sshll.u32 s6, $0x1;
	s4 =	sadd.s32 s20, s19  }
0xa2: {  	s22 =	simm.s32 $0x0;
	s5 =	sshll.u32 s5, $0x1;
	s6 =	sadd.s32 s21, s4  }
0xa3: {  	[timem:s22], [sflag:s7] =	dma.local [hbm:s6], s5  }
0xa4: {  	_ =	swait.ge [sflag:s7], s5  }
0xa5: {  	s5 =	ssub.s32 $0x0, s5;
	[sflag:s7] =	ssyncset.done $0x0  }
0xa6: {  	[sflag:s7] =	ssyncadd.s32 s5;
	_ =	sdelay $0x1  }
0xa7: {  	s23 =	simm.s32 $0x1B8B  }
0xa8: {  	_ =	swait.ge [sflag:s23], $0x1  }
0xa9: {  	[sflag:s23] =	ssyncset.done $0x0  }
0xaa: {  	[sflag:s23] =	ssyncadd.s32 $0xFFFFFFFF  }
0xab: {  	s5 =	sld [smem:$0x0]  }
0xac: {  	s6 =	sand.u32 $0xFFFFFFFE, s1  }
0xad: {  	p0 =	sne.s32 s1, s6  }
0xae: {  	s6 =	sshll.u32 @p0 s6, $0xE  }
0xaf: {  	s6 =	sadd.s32 @p0 $0x11B8D, s6;
	s7 =	sshll.u32 @p0 s5, $0x11  }
0xb0: {  	s6 =	sor.u32 @p0 s7, s6  }
0xb1: {  	[sflag:s6] =	ssyncadd.remote.s32 @p0 $0x1;
	_ =	sdelay $0x1  }
0xb2: {  	s6 =	simm.s32 @p0 $0x1B8D  }
0xb3: {  	_ =	swait.eq @p0 [sflag:s6], $0x1  }
0xb4: {  	[sflag:s6] =	ssyncadd.s32 @p0 $0xFFFFFFFF  }
0xb5: {  	s7 =	sshll.u32 @!p0 s1, $0xE  }
0xb6: {  	s7 =	sor.u32 @!p0 $0x4000, s7;
	s6 =	simm.s32 @!p0 $0x1B8D  }
0xb7: {  	s5 =	sshll.u32 @!p0 s5, $0x11;
	s7 =	sadd.s32 @!p0 $0x11B8D, s7;
	_ =	swait.eq @!p0 [sflag:s6], $0x1  }
0xb8: {  	s5 =	sor.u32 @!p0 s5, s7;
	[sflag:s6] =	ssyncadd.s32 @!p0 $0xFFFFFFFF  }
0xb9: {  	s25 =	simm.s32 $0x1B8E;
	s24 =	sld [smem:$0x3FFE];
	[sflag:s5] =	ssyncadd.remote.s32 @!p0 $0x1  }
0xba: {  	s26 =	simm.s32 $execute0_lowered;
	[smem:$0x3FD2] =	sst s25  }
0xbb: {  	s6 =	sshll.u32 s26, $0x1;
	_ =	strace $0x80000049;
	[dreg:$0x1] =	wrdreg $0xFFFFFFFF  }
0xbc: {  	s28 =	simm.s32 $_size_execute0_lowered;
	s4 =	sadd.s32 s4, s6;
	[dreg:$0x0] =	wrdreg $0x0  }
0xbd: {  	s6 =	sshll.u32 s28, $0x1;
	[dreg:$0x2] =	wrdreg s4  }
0xbe: {  	[dreg:$0x3] =	wrdreg s6  }
0xbf: {  	[dreg:$0x4] =	wrdreg $0xC0  }
0xc0: {  	_ =	task [dreg:s22], $0x5FFFF  }
0xc1: {  	[dreg:$0x1] =	wrdreg $0xFFFFFFFF  }
0xc2: {  	[dreg:$0x0] =	wrdreg $0x60  }
0xc3: {  	[dreg:$0x2] =	wrdreg s24  }
0xc4: {  	[dreg:$0x3] =	wrdreg s17  }
0xc5: {  	[dreg:$0x4] =	wrdreg $0xA  }
0xc6: {  	_ =	task.clear_ibuf [dreg:s22], $0x5FFFF;
	_ =	strace $0x90000049  }
0xc7: {  	s29 =	simm.s32 $0xA;
	_ =	strace $0x8000004B  }
0xc8: {  	_ =	swait.ge [sflag:s29], $0x1  }
0xc9: {  	[sflag:s29] =	ssyncadd.s32 $0xFFFFFFFF  }
0xca: {  	_ =	strace $0x9000004B  }
0xcb: {  	_ =	sfence  }
0xcc: {  	s30 =	sld [smem:$0x0];
	_ =	sdelay $0x2  }
0xcd: {  	s31 =	sshll.u32 s1, $0xD;
	s1 =	sshrl.u32 s1, $0x2  }
0xce: {  	s4 =	sand.u32 $0x4000, s31;
	s1 =	sadd.s32 s1, s30  }
0xcf: {  	s0 =	sor.u32 s4, s0;
	s1 =	sshll.u32 s1, $0x11  }
0xd0: {  	s0 =	sor.u32 s1, s0  }
0xd1: {  	s0 =	sadd.s32 $0x8F2B, s0  }
0xd2: {  	[sflag:s0] =	ssyncadd.remote.s32 $0x1  }
0xd3: {  	_ =	sfence.sel $0xFFFF  }
0xd4: {  	[dreg:$0x0] =	wrdreg $0xFFFFFFFF;
	(pc) =	sbr.abs _section_cstart, $3  }
0xd5: {  	[dreg:$0x1] =	wrdreg $0xFFFFFFFF  }
0xd6: {  	_ =	task.clear_ibuf [dreg:s22], $0x2FFFF;
	_ =	strace $0x9FFFFFFF  }
0xd7: {  	(tm) =	ssettm $0x7FFFFFFF  }
tec
execute0_lowered:
.L_overlay_start_1:
0x0: {  	(tag) =	ssettag $0x1  }
0x1: {  	s7 =	rddreg [dreg:$0x0]  }
0x2: {  	s2 =	rddreg [dreg:$0x1]  }
0x3: {  	s0 =	rddreg [dreg:$0x2]  }
0x4: {  	s1 =	srdreg.scid;
	_ =	strace $0x8000004A;
	s4 =	simm.s32 $0x1  }
0x5: {  	s9 =	simm.s32 $0x3;
	s12 =	simm.s32 $0x0;
	s5 =	sshll.u32 s1, $0x4  }
.Ltmp0:
0x6: {  	s1 =	stileid.u32;
	s5 =	sand.u32 $0x10, s5;
	(pc) =	sbr.rel .LBB2_1-.Ltmp0, $4  }
0x7: {  	s10 =	simm.s32 $0x0;
	s3 =	sadd.s32 $0x600, s7;
	s6 =	sor.u32 s1, s5  }
0x8: {  	[sflag:s4] =	ssyncpa.u1 $0x0;
	s5 =	simm.s32 $0x2;
	s6 =	sshll.u32 s6, $0x6  }
0x9: {  	s7 =	sadd.s32 $0xC0600, s7;
	[sflag:s5] =	ssyncpa.u1 $0x0;
	s8 =	sadd.s32 $0x40, s6  }
0xa: {  	vm0 =	vmmov $0xff;
	vm1 =	vcmask $0x3F20;
	[sflag:s9] =	ssyncpa.u1 $0x0;
	s9 =	simm.s32 $0x40;
	s11 =	smov.u32 s6  }
.LBB2_11:
0xb: {  	p0 =	seq.s32 s10, $0x2  }
.Ltmp1:
0xc: {  	_ = 	snop;
	(pc) =	sbr.rel @p0 .LBB2_13-.Ltmp1, $1  }
0xd: {  	_ =	sdelay $0x3  }
.LBB2_12:
0xe: {  	s12 =	sadd.s32 $0x40, s11  }
0xf: {  	s13 =	smov.u32 s6;
	p0 =	slt.s32 s12, s8  }
0x10: {  	s13 =	smov.u32 @p0 s12  }
0x11: {  	s10 =	sadd.s32 $0x1, s10;
	s12 =	smov.u32 s11;
	s11 =	smov.u32 s13  }
.LBB2_1:
0x12: {  	p0 =	sne.s32 s10, $0x0  }
.Ltmp2:
0x13: {  	_ = 	snop;
	(pc) =	sbr.rel @!p0 .LBB2_2-.Ltmp2, $1  }
0x14: {  	_ =	sdelay $0x3  }
0x15: {  	s13 =	sand.u32 $0x1, s10  }
0x16: {  	p0 =	seq.s32 s13, $0x0  }
.Ltmp3:
0x17: {  	_ = 	snop;
	(pc) =	sbr.rel @p0 .LBB2_11-.Ltmp3, $1  }
0x18: {  	_ =	sdelay $0x3  }
0x19: {  	_ =	swait.ge [sflag:s5], $0x40  }
0x1a: {  	[sflag:s5] =	ssyncset.done $0x0  }
0x1b: {  	s13 =	simm.s32 $0x0;
	s14 =	simm.s32 $0x80;
	[sflag:s5] =	ssyncadd.s32 $0xFFFFFFC0  }
.LBB2_5:
0x1c: {  	s15 =	sshll.u32 s13, $0x4  }
0x1d: {  	s15 =	sand.u32 $0x3FFFFFF0, s15  }
0x1e: {  	v0 =	vld.msk [tilespmem:s15+$0x40 ss:$0x1], $0xffff;
	_ =	sdelay $0x4  }
0x1f: {  	vm2 =	vgt.s32 v0, $0x0  }
0x20: {  	v0 =	vnsel vm2, $0x0, v0  }
0x21: {  	v0 =	vmin.u32 v0, $0x17FF  }
0x22: {  	v1 =	vshrl.u32 v0, $0x3  }
0x23: {  	v0 =	vshll.u32 v0, $0x7;
	v1 =	vmul.u32 $0x1800, v1  }
0x24: {  	v0 =	vand.u32 $0x380, v0  }
0x25: {  	v0 =	vor.u32 v0, v1  }
0x26: {  	v0 =	vshrl.u32 v0, $0x3;
	_ =	sdelay $0x2  }
0x27: {  	s16 =	sadd.s32 $0xFFFFE800, s14  }
0x28: {  	s31 =	sadd.s32 $0xD800, s16;
	s16 =	sadd.s32 $0xF000, s16;
	s15 =	simm.s32 $0xFFFFB000  }
0x29: {  	v1 =	vadd.s32 $0x80, v0;
	[tilespmem:s31], [sflag:$0x1] =	stream.indirect_vreg.gather [hbm:s3], $0x80, v0, vm0, $0x38;
	[tilespmem:$0x18080] =	vst v63  }
.LBB2_6:
0x2a: {  	[tilespmem:s16], [sflag:$0x1] =	stream.indirect_vreg.gather [hbm:s3], $0x80, v0, vm1, $0x38;
	[tilespmem:$0x18080] =	vst v63  }
0x2b: {  	v0 =	vmov v1;
	p0 =	sne.s32 s15, $0xFFFFF000  }
.Ltmp4:
0x2c: {  	s16 =	sshra.s32 s15, $0x2;
	(pc) =	sbr.rel @p0 .LBB2_6-.Ltmp4, $4  }
0x2d: {  	s15 =	sadd.s32 $0x1000, s15;
	s16 =	sadd.s32 s16, s14  }
0x2e: {  	s17 =	sadd.s32 $0xD800, s16  }
0x2f: {  	[tilespmem:s17], [sflag:$0x1] =	stream.indirect_vreg.gather [hbm:s3], $0x80, v1, vm0, $0x38;
	[tilespmem:$0x18080] =	vst v63  }
0x30: {  	s16 =	sadd.s32 $0xF000, s16;
	v1 =	vadd.s32 $0x80, v1  }
0x31: {  	s13 =	sadd.s32 $0x1, s13  }
0x32: {  	p0 =	sne.s32 s13, $0x4  }
.Ltmp5:
0x33: {  	_ = 	snop;
	(pc) =	sbr.rel @p0 .LBB2_5-.Ltmp5, $3  }
0x34: {  	_ =	sdelay $0x1  }
0x35: {  	[tilespmem:s16], [sflag:$0x1] =	stream.indirect_vreg.gather [hbm:s3], $0x80, v0, vm1, $0x38;
	[tilespmem:$0x18080] =	vst v63  }
0x36: {  	s14 =	sadd.s32 $0x3000, s14  }
0x37: {  	s13 =	sshrl.u32 s12, $0x3  }
0x38: {  	s13 =	smul.u32 $0x300, s13  }
0x39: {  	_ =	swait.ge [sflag:s4], $0xC000;
	s31 =	sshll.u32 s12, $0x4  }
0x3a: {  	s14 =	simm.s32 $0x300;
	s12 =	sand.u32 $0x70, s31;
	s13 =	sadd.s32 s13, s2  }
0x3b: {  	s15 =	simm.s32 $0xD880;
	[sflag:s4] =	ssyncset.done $0x0;
	s12 =	sadd.s32 s12, s13  }
0x3c: {  	[sflag:s4] =	ssyncadd.s32 $0xFFFF4000;
	s13 =	simm.s32 $0xC080;
	s16 =	sadd.s32 $0x0, s12  }
.LBB2_9:
0x3d: {  	[hbm:s16] =	stream.linear.scatter [tilespmem:s13], [sflag:$0x3], $0x1800, $0x38;
	[tilespmem:$0x18080] =	vst v63  }
0x3e: {  	s16 =	smov.u32 s14;
	s13 =	smov.u32 s15;
	p0 =	sne.s32 s14, $0x1500  }
.Ltmp6:
0x3f: {  	s14 =	sadd.s32 $0x300, s14;
	(pc) =	sbr.rel @p0 .LBB2_9-.Ltmp6, $2  }
0x40: {  	_ =	sdelay $0x2  }
0x41: {  	s15 =	sadd.s32 $0x1800, s15;
	s16 =	sadd.s32 s16, s12  }
.Ltmp7:
0x42: {  	(pc) =	sbr.rel .LBB2_11-.Ltmp7, $2  }
0x43: {  	_ =	sdelay $0x2  }
0x44: {  	[hbm:s16] =	stream.linear.scatter [tilespmem:s13], [sflag:$0x3], $0x1800, $0x38;
	[tilespmem:$0x18080] =	vst v63  }
.LBB2_2:
.Ltmp8:
0x45: {  	(pc) =	sbr.rel .LBB2_12-.Ltmp8, $4  }
0x46: {  	_ = 	snop  }
0x47: {  	s12 =	sshrl.u32 s11, $0x3  }
0x48: {  	s13 =	sand.u32 $0x7, s11;
	s12 =	sadd.s32 s7, s12  }
0x49: {  	[tilespmem:s9], [sflag:$0x2] =	stream.linear.gather [hbm4b:s12+s13], $0x40, $0x38;
	[tilespmem:$0x18080] =	vst v63  }
.LBB2_13:
0x4a: {  	s2 =	simm.s32 $0x3  }
0x4b: {  	_ =	swait.ge [sflag:s2], $0xC000  }
0x4c: {  	[sflag:s2] =	ssyncset.done $0x0  }
0x4d: {  	[sflag:s2] =	ssyncadd.s32 $0xFFFF4000  }
0x4e: {  	_ =	sfence.sel $0x180000  }
0x4f: {  	s3 =	simm.s32 $0x2;
	[bflag:$0x0] =	sbarrier.arrive $0xFFFF  }
0x50: {  	[sflag:s3] =	ssyncpa.u1 $0x1  }
0x51: {  	s31 =	simm.s32 $0x1;
	[sflag:s2] =	ssyncpa.u1 $0x1  }
0x52: {  	[sflag:s31] =	ssyncpa.u1 $0x1  }
0x53: {  	p0 =	sne.s32 s1, $0x0;
	_ =	strace $0x9000004A  }
0x54: {  	s0 =	sadd.s32 @!p0 $0x100000, s0;
	[bflag:$0x2] =	sbarrier.arrive $0xFFFF  }
0x55: {  	[sflag:s0] =	ssyncadd.tile.s32 @!p0 $0x1;
	_ =	shalt  }
.Lfunc_end2:
_tile_overlayer_lowered:
.L_overlay_start_2:
0x56: {  	(tag) =	ssettag $0x2  }
0x57: {  	s0 =	rddreg [dreg:$0x0];
	s2 =	stileid.u32  }
0x58: {  	s1 =	rddreg [dreg:$0x1];
	p0 =	sne.s32 s2, $0x0  }
0x59: {  	s3 =	rddreg [dreg:$0x2];
	[bflag:$0x3] =	sbarrier.arrive $0xFFFF;
	s2 =	simm.s32 @!p0 $0x1C01  }
0x5a: {  	[timem:s3], [sflag:s2] =	dma.local @!p0 [hbm:s0], s1  }
0x5b: {  	s0 =	simm.s32 @!p0 $0x1  }
0x5c: {  	_ =	swait.ge @!p0 [sflag:s0], s1  }
0x5d: {  	s1 =	ssub.s32 @!p0 $0x0, s1;
	[sflag:s0] =	ssyncset.done @!p0 $0x0  }
0x5e: {  	[sflag:s0] =	ssyncadd.s32 @!p0 s1  }
0x5f: {  	[bflag:$0x3] =	sbarrier.arrive $0xFFFF  }
0x60: {  	_ =	shalt  }

// kernel: gather_offload_async_start
scs
__scs_entry_jumppad:
0x0: {  	(pc) =	sbr.rel $0x88, $3  }
0x1: {  	(tag) =	ssettag $0x0;
	lr =	simm.s32 $0x1  }
0x2: {  	[smem:$0x3F9A] =	sst lr;
	_ =	strace $0xD0000000  }
0x3: {  	_ = 	snop  }
0x4: {  	_ = 	snop  }
0x5: {  	_ = 	snop  }
0x6: {  	_ = 	snop  }
0x7: {  	_ = 	snop  }
__scs_overlays_trampoline_lowered:
0x8: {  	[smem:$0x3FA9] =	sst s0  }
0x9: {  	[smem:$0x3FAA] =	sst s1  }
0xa: {  	[smem:$0x3FAB] =	sst s2  }
0xb: {  	[smem:$0x3FAC] =	sst s3  }
0xc: {  	[smem:$0x3FAD] =	sst s4  }
0xd: {  	[smem:$0x3FAE] =	sst s5  }
0xe: {  	[smem:$0x3FAF] =	sst s6  }
0xf: {  	[smem:$0x3FB0] =	sst s7  }
0x10: {  	[smem:$0x3FB1] =	sst s8  }
0x11: {  	[smem:$0x3FB2] =	sst s9;
	s0 =	simm.s32 @!p0 $0x0  }
0x12: {  	s1 =	sld [smem:$0x3F98];
	s0 =	simm.s32 @p0 $0x1  }
0x13: {  	[smem:$0x3FB3] =	sst s0;
	s0 =	simm.s32 @!p1 $0x0  }
0x14: {  	s2 =	sld [smem:$0x3F97];
	s0 =	simm.s32 @p1 $0x1  }
0x15: {  	[smem:$0x3FB4] =	sst s0;
	s0 =	simm.s32 @!p2 $0x0  }
0x16: {  	s3 =	sld [smem:$0x3FDB];
	s0 =	simm.s32 @p2 $0x1  }
0x17: {  	s4 =	simm.s32 $0x1BF5;
	[smem:$0x3FB6] =	sst s0  }
0x18: {  	s0 =	sld [smem:$0x3F99];
	_ =	swait.ge [sflag:s4], $0x0  }
0x19: {  	s7 =	sld [smem:$0x3F9A]  }
0x1a: {  	s8 =	sadd.s32 $0xFFFFE003, lr  }
0x1b: {  	s9 =	sadd.s32 $0xFFFFFEF7, lr;
	s5 =	simm.s32 $0xFFFFFFFF;
	p2 =	slt.u32 s8, $0xFFFFF086  }
0x1c: {  	p1 =	slt.u32 s9, $0xF7A;
	s5 =	simm.s32 @!p2 $0x0  }
0x1d: {  	s5 =	simm.s32 @p1 $0x1;
	p0 =	seq.s32 s7, s2  }
0x1e: {  	s7 =	smul.u32 @!p0 $0xF7A, s2;
	p2 =	seq.s32 @!p0 s5, $0x0  }
0x1f: {  	s9 =	smul.u32 $0xF7A, s1;
	s8 =	simm.s32 @!p0 $0x1BF5;
	p2 =	por !p2, p0  }
0x20: {  	[sflag:s8] =	ssyncset.s32 @!p0 $0xFFFFF086;
	s6 =	sadd.s32 @!p0 s3, s7;
	s7 =	simm.s32 @!p0 $0x108  }
0x21: {  	s3 =	sadd.s32 s3, s9;
	s6 =	sadd.s32 @!p0 $0x88, s6;
	s7 =	simm.s32 @p2 $0x1082  }
0x22: {  	[simem:s7], [sflag:s8] =	dma.local @!p0 [hbm:s6], $0xF7A  }
0x23: {  	s9 =	sor.u32 $0xD0000000, s2;
	s6 =	simm.s32 $0x108;
	_ =	swait.ge @!p0 [sflag:s8], $0x0  }
0x24: {  	s3 =	sadd.s32 $0x88, s3;
	s6 =	simm.s32 @!p1 $0x1082;
	[sflag:s4] =	ssyncset.s32 $0xFFFFF086  }
0x25: {  	[simem:s6], [sflag:s4] =	dma.local [hbm:s3], $0xF7A  }
0x26: {  	[smem:$0x3F9A] =	sst s1;
	(tag) =	ssettag s2;
	_ =	strace s9  }
0x27: {  	s1 =	sld [smem:$0x3FAA]  }
0x28: {  	s2 =	sld [smem:$0x3FAB]  }
0x29: {  	s4 =	sld [smem:$0x3FAD]  }
0x2a: {  	p0 =	seq.s32 s5, $0x0;
	s5 =	sld [smem:$0x3FAE]  }
0x2b: {  	s6 =	sld [smem:$0x3FAF]  }
0x2c: {  	s7 =	sld [smem:$0x3FB0]  }
0x2d: {  	s3 =	simm.s32 $0x108;
	s8 =	sld [smem:$0x3FB1]  }
0x2e: {  	s3 =	simm.s32 @!p0 $0x1082;
	s9 =	sld [smem:$0x3FB2]  }
0x2f: {  	lr =	sadd.s32 s0, s3;
	s0 =	sld [smem:$0x3FA9]  }
0x30: {  	s3 =	sld [smem:$0x3FAC]  }
0x31: {  	[smem:$0x3FB5] =	sst s10  }
0x32: {  	s10 =	sld [smem:$0x3FB3];
	_ =	sdelay $0x3  }
0x33: {  	p0 =	seq.s32 s10, $0x1;
	s10 =	sld [smem:$0x3FB5];
	_ =	sdelay $0x3  }
0x34: {  	[smem:$0x3FB5] =	sst s10  }
0x35: {  	s10 =	sld [smem:$0x3FB4];
	_ =	sdelay $0x3  }
0x36: {  	p1 =	seq.s32 s10, $0x1;
	s10 =	sld [smem:$0x3FB5];
	_ =	sdelay $0x3  }
0x37: {  	[smem:$0x3FB5] =	sst s10  }
0x38: {  	s10 =	sld [smem:$0x3FB6]  }
0x39: {  	_ = 	snop;
	(pc) =	sbr.ind lr, $3  }
0x3a: {  	_ = 	snop  }
0x3b: {  	_ = 	snop  }
0x3c: {  	p2 =	seq.s32 s10, $0x1;
	s10 =	sld [smem:$0x3FB5]  }
0x3d: {  	_ =	shalt  }
0x3e: {  	_ =	shalt  }
0x3f: {  	_ =	shalt  }
0x40: {  	_ =	shalt  }
0x41: {  	_ =	shalt  }
0x42: {  	_ =	shalt  }
0x43: {  	_ =	shalt  }
0x44: {  	_ =	shalt  }
0x45: {  	_ =	shalt  }
0x46: {  	_ =	shalt  }
0x47: {  	_ =	shalt  }
0x48: {  	_ =	shalt  }
0x49: {  	_ =	shalt  }
0x4a: {  	_ =	shalt  }
0x4b: {  	_ =	shalt  }
0x4c: {  	_ =	shalt  }
0x4d: {  	_ =	shalt  }
0x4e: {  	_ =	shalt  }
0x4f: {  	_ =	shalt  }
0x50: {  	_ =	shalt  }
0x51: {  	_ =	shalt  }
0x52: {  	_ =	shalt  }
0x53: {  	_ =	shalt  }
0x54: {  	_ =	shalt  }
0x55: {  	_ =	shalt  }
0x56: {  	_ =	shalt  }
0x57: {  	_ =	shalt  }
0x58: {  	_ =	shalt  }
0x59: {  	_ =	shalt  }
0x5a: {  	_ =	shalt  }
0x5b: {  	_ =	shalt  }
0x5c: {  	_ =	shalt  }
0x5d: {  	_ =	shalt  }
0x5e: {  	_ =	shalt  }
0x5f: {  	_ =	shalt  }
0x60: {  	_ =	shalt  }
0x61: {  	_ =	shalt  }
0x62: {  	_ =	shalt  }
0x63: {  	_ =	shalt  }
0x64: {  	_ =	shalt  }
0x65: {  	_ =	shalt  }
0x66: {  	_ =	shalt  }
0x67: {  	_ =	shalt  }
0x68: {  	_ =	shalt  }
0x69: {  	_ =	shalt  }
0x6a: {  	_ =	shalt  }
0x6b: {  	_ =	shalt  }
0x6c: {  	_ =	shalt  }
0x6d: {  	_ =	shalt  }
0x6e: {  	_ =	shalt  }
0x6f: {  	_ =	shalt  }
0x70: {  	_ =	shalt  }
0x71: {  	_ =	shalt  }
0x72: {  	_ =	shalt  }
0x73: {  	_ =	shalt  }
0x74: {  	_ =	shalt  }
0x75: {  	_ =	shalt  }
0x76: {  	_ =	shalt  }
0x77: {  	_ =	shalt  }
0x78: {  	_ =	shalt  }
0x79: {  	_ =	shalt  }
0x7a: {  	_ =	shalt  }
0x7b: {  	_ =	shalt  }
0x7c: {  	_ =	shalt  }
0x7d: {  	_ =	shalt  }
0x7e: {  	_ =	shalt  }
0x7f: {  	_ =	shalt  }
0x80: {  	_ =	shalt  }
0x81: {  	_ =	shalt  }
0x82: {  	_ =	shalt  }
0x83: {  	_ =	shalt  }
0x84: {  	_ =	shalt  }
0x85: {  	_ =	shalt  }
0x86: {  	_ =	shalt  }
0x87: {  	_ =	shalt  }
.Lfunc_end0:
.L_simem_size_0:
called_computation_lowered:
.L_overlay_start_0:
0x88: {  	s2 =	sld [smem:$0x3FD9]  }
0x89: {  	s3 =	sld [smem:$0x3FFE];
	_ =	sdelay $0x1  }
0x8a: {  	s1 =	srdreg.scid  }
0x8b: {  	s0 =	sand.u32 $0x1, s1  }
0x8c: {  	s16 =	sshll.u32 s0, $0xA;
	s2 =	sadd.s32 s3, s2  }
0x8d: {  	s2 =	sadd.s32 s2, s16  }
0x8e: {  	[smem:$0x3FC1] =	sst s2  }
0x8f: {  	_ = 	snop  }
0x90: {  	(tm) =	ssettm $0x1  }
0x91: {  	s17 =	sld [smem:$0x3FFB];
	_ =	sdelay $0x3  }
0x92: {  	_ =	strace s17  }
0x93: {  	s2 =	sld [smem:$0x3FFC];
	_ =	sdelay $0x3  }
0x94: {  	_ =	strace s2  }
0x95: {  	s2 =	sld [smem:$0x3FFD];
	_ =	sdelay $0x3  }
0x96: {  	_ =	strace s2  }
0x97: {  	_ =	strace $0x8FFFFFFF  }
0x98: {  	s18 =	sld [smem:$0x3FDB];
	_ =	sdelay $0x1  }
0x99: {  	s19 =	simm.s32 $_scs_section_size  }
0x9a: {  	s4 =	simm.s32 $_size__tile_overlayer_lowered;
	s5 =	simm.s32 $_tile_overlayer_lowered  }
0x9b: {  	s22 =	simm.s32 $0x1BFF;
	s21 =	sshll.u32 s5, $0x1;
	s2 =	sadd.s32 s19, s18  }
0x9c: {  	s6 =	simm.s32 $0x0;
	s20 =	sshll.u32 s4, $0x1;
	s4 =	sadd.s32 s21, s2  }
0x9d: {  	[timem:s6], [sflag:s22] =	dma.local [hbm:s4], s20  }
0x9e: {  	_ =	swait.ge [sflag:s22], s20  }
0x9f: {  	s3 =	ssub.s32 $0x0, s20;
	[sflag:s22] =	ssyncset.done $0x0  }
0xa0: {  	[sflag:s22] =	ssyncadd.s32 s3;
	_ =	sdelay $0x1  }
0xa1: {  	s23 =	simm.s32 $0x1B8B  }
0xa2: {  	_ =	swait.ge [sflag:s23], $0x1  }
0xa3: {  	[sflag:s23] =	ssyncset.done $0x0  }
0xa4: {  	s25 =	simm.s32 $0x1B8E;
	s24 =	sld [smem:$0x3FFE];
	[sflag:s23] =	ssyncadd.s32 $0xFFFFFFFF  }
0xa5: {  	s26 =	simm.s32 $execute0_lowered;
	[smem:$0x3FD2] =	sst s25  }
0xa6: {  	s4 =	sshll.u32 s26, $0x1;
	_ =	strace $0x80000046;
	[dreg:$0x1] =	wrdreg $0xFFFFFFFF  }
0xa7: {  	s28 =	simm.s32 $_size_execute0_lowered;
	s2 =	sadd.s32 s2, s4;
	[dreg:$0x0] =	wrdreg $0x0  }
0xa8: {  	s4 =	sshll.u32 s28, $0x1;
	[dreg:$0x2] =	wrdreg s2  }
0xa9: {  	[dreg:$0x3] =	wrdreg s4  }
0xaa: {  	[dreg:$0x4] =	wrdreg $0xC0  }
0xab: {  	_ =	task [dreg:s6], $0x5FFFF  }
0xac: {  	[dreg:$0x1] =	wrdreg $0xFFFFFFFF  }
0xad: {  	[dreg:$0x0] =	wrdreg $0x60  }
0xae: {  	[dreg:$0x2] =	wrdreg s24  }
0xaf: {  	[dreg:$0x3] =	wrdreg $0x9  }
0xb0: {  	_ =	task.clear_ibuf [dreg:s6], $0x4FFFF;
	_ =	strace $0x90000046  }
0xb1: {  	s29 =	simm.s32 $0x9;
	_ =	strace $0x80000048  }
0xb2: {  	_ =	swait.ge [sflag:s29], $0x1  }
0xb3: {  	[sflag:s29] =	ssyncadd.s32 $0xFFFFFFFF  }
0xb4: {  	_ =	strace $0x90000048  }
0xb5: {  	_ =	sfence  }
0xb6: {  	s30 =	sld [smem:$0x0];
	_ =	sdelay $0x2  }
0xb7: {  	s31 =	sshll.u32 s1, $0xD;
	s1 =	sshrl.u32 s1, $0x2  }
0xb8: {  	s3 =	sand.u32 $0x4000, s31;
	s1 =	sadd.s32 s1, s30  }
0xb9: {  	s0 =	sor.u32 s3, s0;
	s1 =	sshll.u32 s1, $0x11  }
0xba: {  	s0 =	sor.u32 s1, s0  }
0xbb: {  	s0 =	sadd.s32 $0x8F2B, s0  }
0xbc: {  	[sflag:s0] =	ssyncadd.remote.s32 $0x1  }
0xbd: {  	_ =	sfence.sel $0xFFFF  }
0xbe: {  	[dreg:$0x0] =	wrdreg $0xFFFFFFFF;
	(pc) =	sbr.abs _section_cstart, $3  }
0xbf: {  	[dreg:$0x1] =	wrdreg $0xFFFFFFFF  }
0xc0: {  	_ =	task.clear_ibuf [dreg:s6], $0x2FFFF;
	_ =	strace $0x9FFFFFFF  }
0xc1: {  	(tm) =	ssettm $0x7FFFFFFF  }
tec
execute0_lowered:
.L_overlay_start_1:
0x0: {  	(tag) =	ssettag $0x1  }
0x1: {  	s7 =	rddreg [dreg:$0x0]  }
0x2: {  	s0 =	rddreg [dreg:$0x1];
	_ =	strace $0x80000047  }
0x3: {  	s1 =	srdreg.scid;
	s4 =	simm.s32 $0x1;
	s9 =	simm.s32 $0x3  }
0x4: {  	s12 =	simm.s32 $0x0;
	s10 =	simm.s32 $0x0;
	s5 =	sshll.u32 s1, $0x4  }
.Ltmp0:
0x5: {  	s1 =	stileid.u32;
	s5 =	sand.u32 $0x10, s5;
	(pc) =	sbr.rel .LBB2_1-.Ltmp0, $4  }
0x6: {  	s2 =	sadd.s32 $0x600, s7;
	s3 =	sadd.s32 $0x400, s7;
	s6 =	sor.u32 s1, s5  }
0x7: {  	[sflag:s4] =	ssyncpa.u1 $0x0;
	s5 =	simm.s32 $0x2;
	s6 =	sshll.u32 s6, $0x6  }
0x8: {  	s7 =	sadd.s32 $0x90600, s7;
	[sflag:s5] =	ssyncpa.u1 $0x0;
	s8 =	sadd.s32 $0x40, s6  }
0x9: {  	vm0 =	vmmov $0xff;
	vm1 =	vcmask $0x3F20;
	[sflag:s9] =	ssyncpa.u1 $0x0;
	s9 =	simm.s32 $0x40;
	s11 =	smov.u32 s6  }
.LBB2_11:
0xa: {  	p0 =	seq.s32 s10, $0x2  }
.Ltmp1:
0xb: {  	_ = 	snop;
	(pc) =	sbr.rel @p0 .LBB2_13-.Ltmp1, $1  }
0xc: {  	_ =	sdelay $0x3  }
.LBB2_12:
0xd: {  	s12 =	sadd.s32 $0x40, s11  }
0xe: {  	s13 =	smov.u32 s6;
	p0 =	slt.s32 s12, s8  }
0xf: {  	s13 =	smov.u32 @p0 s12  }
0x10: {  	s10 =	sadd.s32 $0x1, s10;
	s12 =	smov.u32 s11;
	s11 =	smov.u32 s13  }
.LBB2_1:
0x11: {  	p0 =	sne.s32 s10, $0x0  }
.Ltmp2:
0x12: {  	_ = 	snop;
	(pc) =	sbr.rel @!p0 .LBB2_2-.Ltmp2, $1  }
0x13: {  	_ =	sdelay $0x3  }
0x14: {  	s13 =	sand.u32 $0x1, s10  }
0x15: {  	p0 =	seq.s32 s13, $0x0  }
.Ltmp3:
0x16: {  	_ = 	snop;
	(pc) =	sbr.rel @p0 .LBB2_11-.Ltmp3, $1  }
0x17: {  	_ =	sdelay $0x3  }
0x18: {  	_ =	swait.ge [sflag:s5], $0x40  }
0x19: {  	[sflag:s5] =	ssyncset.done $0x0  }
0x1a: {  	s13 =	simm.s32 $0x0;
	s14 =	simm.s32 $0x80;
	[sflag:s5] =	ssyncadd.s32 $0xFFFFFFC0  }
.LBB2_5:
0x1b: {  	s15 =	sshll.u32 s13, $0x4  }
0x1c: {  	s15 =	sand.u32 $0x3FFFFFF0, s15  }
0x1d: {  	v0 =	vld.msk [tilespmem:s15+$0x40 ss:$0x1], $0xffff;
	_ =	sdelay $0x4  }
0x1e: {  	vm2 =	vgt.s32 v0, $0x0  }
0x1f: {  	v0 =	vnsel vm2, $0x0, v0  }
0x20: {  	v0 =	vmin.u32 v0, $0x17FF  }
0x21: {  	v1 =	vshrl.u32 v0, $0x3  }
0x22: {  	v0 =	vshll.u32 v0, $0x7;
	v1 =	vmul.u32 $0x1800, v1  }
0x23: {  	v0 =	vand.u32 $0x380, v0  }
0x24: {  	v0 =	vor.u32 v0, v1  }
0x25: {  	v0 =	vshrl.u32 v0, $0x3;
	_ =	sdelay $0x2  }
0x26: {  	s16 =	sadd.s32 $0xFFFFE800, s14  }
0x27: {  	s31 =	sadd.s32 $0xD800, s16;
	s16 =	sadd.s32 $0xF000, s16;
	s15 =	simm.s32 $0xFFFFB000  }
0x28: {  	v1 =	vadd.s32 $0x80, v0;
	[tilespmem:s31], [sflag:$0x1] =	stream.indirect_vreg.gather [hbm:s2], $0x80, v0, vm0, $0x38;
	[tilespmem:$0x18080] =	vst v63  }
.LBB2_6:
0x29: {  	[tilespmem:s16], [sflag:$0x1] =	stream.indirect_vreg.gather [hbm:s2], $0x80, v0, vm1, $0x38;
	[tilespmem:$0x18080] =	vst v63  }
0x2a: {  	v0 =	vmov v1;
	p0 =	sne.s32 s15, $0xFFFFF000  }
.Ltmp4:
0x2b: {  	s16 =	sshra.s32 s15, $0x2;
	(pc) =	sbr.rel @p0 .LBB2_6-.Ltmp4, $4  }
0x2c: {  	s15 =	sadd.s32 $0x1000, s15;
	s16 =	sadd.s32 s16, s14  }
0x2d: {  	s17 =	sadd.s32 $0xD800, s16  }
0x2e: {  	[tilespmem:s17], [sflag:$0x1] =	stream.indirect_vreg.gather [hbm:s2], $0x80, v1, vm0, $0x38;
	[tilespmem:$0x18080] =	vst v63  }
0x2f: {  	s16 =	sadd.s32 $0xF000, s16;
	v1 =	vadd.s32 $0x80, v1  }
0x30: {  	s13 =	sadd.s32 $0x1, s13  }
0x31: {  	p0 =	sne.s32 s13, $0x4  }
.Ltmp5:
0x32: {  	_ = 	snop;
	(pc) =	sbr.rel @p0 .LBB2_5-.Ltmp5, $3  }
0x33: {  	_ =	sdelay $0x1  }
0x34: {  	[tilespmem:s16], [sflag:$0x1] =	stream.indirect_vreg.gather [hbm:s2], $0x80, v0, vm1, $0x38;
	[tilespmem:$0x18080] =	vst v63  }
0x35: {  	s14 =	sadd.s32 $0x3000, s14  }
0x36: {  	s13 =	sshrl.u32 s12, $0x3  }
0x37: {  	s13 =	smul.u32 $0x300, s13  }
0x38: {  	_ =	swait.ge [sflag:s4], $0xC000;
	s31 =	sshll.u32 s12, $0x4  }
0x39: {  	s14 =	simm.s32 $0x300;
	s12 =	sand.u32 $0x70, s31;
	s13 =	sadd.s32 s13, s7  }
0x3a: {  	s15 =	simm.s32 $0xD880;
	[sflag:s4] =	ssyncset.done $0x0;
	s12 =	sadd.s32 s12, s13  }
0x3b: {  	[sflag:s4] =	ssyncadd.s32 $0xFFFF4000;
	s13 =	simm.s32 $0xC080;
	s16 =	sadd.s32 $0x0, s12  }
.LBB2_9:
0x3c: {  	[hbm:s16] =	stream.linear.scatter [tilespmem:s13], [sflag:$0x3], $0x1800, $0x38;
	[tilespmem:$0x18080] =	vst v63  }
0x3d: {  	s16 =	smov.u32 s14;
	s13 =	smov.u32 s15;
	p0 =	sne.s32 s14, $0x1500  }
.Ltmp6:
0x3e: {  	s14 =	sadd.s32 $0x300, s14;
	(pc) =	sbr.rel @p0 .LBB2_9-.Ltmp6, $2  }
0x3f: {  	_ =	sdelay $0x2  }
0x40: {  	s15 =	sadd.s32 $0x1800, s15;
	s16 =	sadd.s32 s16, s12  }
.Ltmp7:
0x41: {  	(pc) =	sbr.rel .LBB2_11-.Ltmp7, $2  }
0x42: {  	_ =	sdelay $0x2  }
0x43: {  	[hbm:s16] =	stream.linear.scatter [tilespmem:s13], [sflag:$0x3], $0x1800, $0x38;
	[tilespmem:$0x18080] =	vst v63  }
.LBB2_2:
.Ltmp8:
0x44: {  	(pc) =	sbr.rel .LBB2_12-.Ltmp8, $4  }
0x45: {  	_ = 	snop  }
0x46: {  	s12 =	sshrl.u32 s11, $0x3  }
0x47: {  	s13 =	sand.u32 $0x7, s11;
	s12 =	sadd.s32 s3, s12  }
0x48: {  	[tilespmem:s9], [sflag:$0x2] =	stream.linear.gather [hbm4b:s12+s13], $0x40, $0x38;
	[tilespmem:$0x18080] =	vst v63  }
.LBB2_13:
0x49: {  	s2 =	simm.s32 $0x3  }
0x4a: {  	_ =	swait.ge [sflag:s2], $0xC000  }
0x4b: {  	[sflag:s2] =	ssyncset.done $0x0  }
0x4c: {  	[sflag:s2] =	ssyncadd.s32 $0xFFFF4000  }
0x4d: {  	_ =	sfence.sel $0x180000  }
0x4e: {  	s3 =	simm.s32 $0x2;
	[bflag:$0x0] =	sbarrier.arrive $0xFFFF  }
0x4f: {  	[sflag:s3] =	ssyncpa.u1 $0x1  }
0x50: {  	s31 =	simm.s32 $0x1;
	[sflag:s2] =	ssyncpa.u1 $0x1  }
0x51: {  	[sflag:s31] =	ssyncpa.u1 $0x1  }
0x52: {  	p0 =	sne.s32 s1, $0x0;
	_ =	strace $0x90000047  }
0x53: {  	s0 =	sadd.s32 @!p0 $0x100000, s0;
	[bflag:$0x2] =	sbarrier.arrive $0xFFFF  }
0x54: {  	[sflag:s0] =	ssyncadd.tile.s32 @!p0 $0x1;
	_ =	shalt  }
.Lfunc_end2:
_tile_overlayer_lowered:
.L_overlay_start_2:
0x55: {  	(tag) =	ssettag $0x2  }
0x56: {  	s0 =	rddreg [dreg:$0x0];
	s2 =	stileid.u32  }
0x57: {  	s1 =	rddreg [dreg:$0x1];
	p0 =	sne.s32 s2, $0x0  }
0x58: {  	s3 =	rddreg [dreg:$0x2];
	[bflag:$0x3] =	sbarrier.arrive $0xFFFF;
	s2 =	simm.s32 @!p0 $0x1C01  }
0x59: {  	[timem:s3], [sflag:s2] =	dma.local @!p0 [hbm:s0], s1  }
0x5a: {  	s0 =	simm.s32 @!p0 $0x1  }
0x5b: {  	_ =	swait.ge @!p0 [sflag:s0], s1  }
0x5c: {  	s1 =	ssub.s32 @!p0 $0x0, s1;
	[sflag:s0] =	ssyncset.done @!p0 $0x0  }
0x5d: {  	[sflag:s0] =	ssyncadd.s32 @!p0 s1  }
0x5e: {  	[bflag:$0x3] =	sbarrier.arrive $0xFFFF  }
0x5f: {  	_ =	shalt  }

</sc_bundles>
